<compile_context>
chip_gen: v7x
topology: tpu7x:2x2x1
jax: 0.10.2.dev20260603
libtpu: 0.0.44.dev20260713+nightly
codegen_flags: <defaults>
</compile_context>

<pallas_src>
import functools
import math

import jax
import jax.numpy as jnp
from jax import lax
from jax.experimental import pallas as pl
from jax.experimental.pallas import tpu as pltpu
from jax.experimental.pallas import tpu_sc as plsc

EMB = 64
SCALE = math.sqrt(EMB)

N0 = 16384
N1 = 50
B = N0 * N1
NT = 1000000
NC, NS, L = 2, 16, 16
NW = NC * NS
PER_W = B // NW
C = 256
NPAIR = PER_W // C // 2

CB = 16384


def _transpose_body(tT_ref, out_ref):
    blk = tT_ref[...]
    out_ref[:, 0:EMB] = blk.T * jnp.float32(SCALE)


N0B = 16384
NBLK = N0 // N0B


def _untranspose_body(in_ref, out_ref):
    x = in_ref[0]
    out_ref[0, :, 0:N0B // 2] = x[:, 0:EMB].T
    out_ref[0, :, N0B // 2:N0B] = x[:, EMB:128].T


def _body(tok_hbm, table_hbm, out_hbm, idx_v, r0, r1, g0, g1):
    wid = lax.axis_index("s") * NC + lax.axis_index("c")
    base = wid * PER_W

    pltpu.sync_copy(tok_hbm.at[pl.ds(pl.multiple_of(base, 8), PER_W)], idx_v)

    def fire(rb, sem, c):
        off = c * C
        for j in range(C // 128):
            pltpu.async_copy(table_hbm.at[idx_v.at[pl.ds(off + j * 128, 128)]],
                             rb.at[pl.ds(j * 128, 128)], sem)

    def drain(rb, sem):
        pltpu.make_async_copy(table_hbm.at[pl.ds(0, C)], rb, sem).wait()

    def writeback(rb, c):
        row = pl.multiple_of(base + c * C, 8)
        pltpu.sync_copy(rb.at[:, pl.ds(0, EMB)], out_hbm.at[pl.ds(row, C)])

    fire(r0, g0, 0)

    def body(i, carry):
        c0 = 2 * i
        c1 = c0 + 1
        fire(r1, g1, c1)
        drain(r0, g0)
        writeback(r0, c0)

        @pl.when(i < NPAIR - 1)
        def _():
            fire(r0, g0, c0 + 2)

        drain(r1, g1)
        writeback(r1, c1)
        return carry

    lax.fori_loop(0, NPAIR, body, 0)


@jax.jit
def _embed(tokens, table):
    tT = table.T
    wide = pl.pallas_call(
        _transpose_body,
        grid=((NT + CB - 1) // CB,),
        in_specs=[pl.BlockSpec((EMB, CB), lambda b: (0, b))],
        out_specs=pl.BlockSpec((CB, 128), lambda b: (b, 0)),
        out_shape=jax.ShapeDtypeStruct((NT, 128), jnp.float32),
    )(tT)
    tok1d = (tokens.T.astype(jnp.int32)
             .reshape(N1, NBLK, 2, N0B // 2)
             .transpose(0, 1, 3, 2)
             .reshape(B))
    mesh = plsc.VectorSubcoreMesh(core_axis_name="c", subcore_axis_name="s")
    run = functools.partial(
        pl.kernel,
        out_type=jax.ShapeDtypeStruct((B, EMB), jnp.float32),
        mesh=mesh,
        scratch_types=[
            pltpu.VMEM((PER_W,), jnp.int32),
            pltpu.VMEM((C, 128), jnp.float32),
            pltpu.VMEM((C, 128), jnp.float32),
            pltpu.SemaphoreType.DMA,
            pltpu.SemaphoreType.DMA,
        ],
        compiler_params=pltpu.CompilerParams(use_tc_tiling_on_sc=False),
    )(_body)
    out2 = run(tok1d, wide)
    o3 = pl.pallas_call(
        _untranspose_body,
        grid=(N1, N0 // N0B),
        in_specs=[pl.BlockSpec((1, N0B // 2, 128), lambda j, k: (j, k, 0))],
        out_specs=pl.BlockSpec((1, EMB, N0B), lambda j, k: (j, 0, k)),
        out_shape=jax.ShapeDtypeStruct((N1, EMB, N0), jnp.float32),
    )(out2.reshape(N1, N0 // 2, 128))
    return jnp.transpose(o3, (2, 0, 1))


def kernel(tokens, table):
    return _embed(tokens, table)

# --- scband reference (transcript-rebuilt; emitter-appended) ---
"""Pipeline reference for scband-token-embedding-26173530702540 (READ-ONLY COPY).

The authoritative reference and input builder live on the scoring server;
editing this copy changes nothing except your own understanding.
"""

import jax, jax.numpy as jnp
import numpy as np
import math

VOCAB = 1000000
EMB = 64

def setup_inputs(seed: int = 0) -> dict:
    key = jax.random.key(seed)
    k1, k2 = jax.random.split(key)
    tokens = jax.random.randint(k1, (16384, 50), 0, VOCAB, dtype=jnp.int64 if jax.config.jax_enable_x64 else jnp.int32)
    table = jax.random.normal(k2, (VOCAB, EMB), dtype=jnp.float32)
    return {"tokens": tokens, "table": table}

def reference(tokens, table):
    # nn.Embedding lookup followed by scaling by sqrt(emb_size)
    emb = jnp.take(table, tokens, axis=0)
    return emb * math.sqrt(EMB)

if __name__ == "__main__":
    import jax
    _d = setup_inputs()
    print(jax.jit(kernel)(*tuple(_d.values())))

</pallas_src>

<mosaic_0001>
#map = affine_map<(d0, d1) -> (0)>
#map1 = affine_map<(d0, d1) -> (0, 0)>
module attributes {stable_mosaic.version = 14 : i64} {
  func.func @_body(%arg0: i32, %arg1: i32, %arg2: memref<819200xi32, #tpu.memory_space<hbm>>, %arg3: memref<1000000x128xf32, #tpu.memory_space<hbm>>, %arg4: memref<819200x64xf32, #tpu.memory_space<hbm>>, %arg5: memref<25600xi32, #tpu.memory_space<vmem>>, %arg6: memref<256x128xf32, #tpu.memory_space<vmem>>, %arg7: memref<256x128xf32, #tpu.memory_space<vmem>>, %arg8: memref<!tpu.dma_semaphore, #tpu.memory_space<semaphore_mem>>, %arg9: memref<!tpu.dma_semaphore, #tpu.memory_space<semaphore_mem>>) attributes {dimension_semantics = [#tpu.dimension_semantics<core_parallel>, #tpu.dimension_semantics<subcore_parallel>], iteration_bounds = array<i64: 2, 16>, scalar_prefetch = 0 : i64, scratch_operands = 5 : i64, tpu.core_type = #tpu.core_type<sc_vector_subcore>, window_params = [{transform_indices = #map}, {transform_indices = #map1}, {transform_indices = #map1}]} {
    %mul3A = arith.constant 2 : i32
    %mul3A_0 = arith.muli %arg1, %mul3A : i32
    %add3A = arith.addi %mul3A_0, %arg0 : i32
    %mul3A_1 = arith.constant 25600 : i32
    %mul3A_2 = arith.muli %add3A, %mul3A_1 : i32
    %multiple_of3A = tpu.assume_multiple %mul3A_2, 8 : i32
    "tpu.region"() ({
      %run_scoped3A = tpu.sem_alloc : memref<!tpu.dma_semaphore, #tpu.memory_space<semaphore_mem>>
      %dma_start3A_23 = tpu.memref_slice %arg2[%multiple_of3A] : memref<819200xi32, #tpu.memory_space<hbm>> -> memref<25600xi32, #tpu.memory_space<hbm>>
      %dma_start3A_24 = tpu.memref_slice %arg2[%multiple_of3A] : memref<819200xi32, #tpu.memory_space<hbm>> -> memref<25600xi32, #tpu.memory_space<hbm>>
      tpu.enqueue_dma source(%dma_start3A_24 : memref<25600xi32, #tpu.memory_space<hbm>>) target(%arg5 : memref<25600xi32, #tpu.memory_space<vmem>>) target_semaphore(%run_scoped3A : memref<!tpu.dma_semaphore, #tpu.memory_space<semaphore_mem>>)
      %dma_wait3A = tpu.memref_slice %arg2[%multiple_of3A] : memref<819200xi32, #tpu.memory_space<hbm>> -> memref<25600xi32, #tpu.memory_space<hbm>>
      %dma_wait3A_25 = tpu.memref_slice %arg2[%multiple_of3A] : memref<819200xi32, #tpu.memory_space<hbm>> -> memref<25600xi32, #tpu.memory_space<hbm>>
      tpu.wait_dma2 semaphore(%run_scoped3A : memref<!tpu.dma_semaphore, #tpu.memory_space<semaphore_mem>>) src(%dma_wait3A_25 : memref<25600xi32, #tpu.memory_space<hbm>>) dst(%arg5 : memref<25600xi32, #tpu.memory_space<vmem>>)
      tpu.yield
    }) : () -> ()
    %dma_start3A = arith.constant 0 : i32
    %dma_start3A_3 = arith.constant 0 : i32
    %dma_start3A_4 = tpu.memref_slice %arg6[%dma_start3A, %dma_start3A_3] : memref<256x128xf32, #tpu.memory_space<vmem>> -> memref<128x128xf32, #tpu.memory_space<vmem>>
    %dma_start3A_5 = arith.constant 0 : i32
    %dma_start3A_6 = tpu.memref_slice %arg5[%dma_start3A_5] : memref<25600xi32, #tpu.memory_space<vmem>> -> memref<128xi32, #tpu.memory_space<vmem>>
    %dma_start3A_7 = arith.constant 0 : i32
    %dma_start3A_8 = arith.constant 0 : i32
    %dma_start3A_9 = tpu.memref_slice %arg3[%dma_start3A_7, %dma_start3A_8] : memref<1000000x128xf32, #tpu.memory_space<hbm>> -> memref<1000000x128xf32, #tpu.memory_space<hbm>>
    tpu.enqueue_indirect_dma source(%dma_start3A_9 : memref<1000000x128xf32, #tpu.memory_space<hbm>>) target(%dma_start3A_4 : memref<128x128xf32, #tpu.memory_space<vmem>>) offsets(%dma_start3A_6 : memref<128xi32, #tpu.memory_space<vmem>>) semaphore(%arg8 : memref<!tpu.dma_semaphore, #tpu.memory_space<semaphore_mem>>)
    %dma_start3A_10 = arith.constant 128 : i32
    %dma_start3A_11 = arith.constant 0 : i32
    %dma_start3A_12 = tpu.memref_slice %arg6[%dma_start3A_10, %dma_start3A_11] : memref<256x128xf32, #tpu.memory_space<vmem>> -> memref<128x128xf32, #tpu.memory_space<vmem>>
    %dma_start3A_13 = arith.constant 128 : i32
    %dma_start3A_14 = tpu.memref_slice %arg5[%dma_start3A_13] : memref<25600xi32, #tpu.memory_space<vmem>> -> memref<128xi32, #tpu.memory_space<vmem>>
    %dma_start3A_15 = arith.constant 0 : i32
    %dma_start3A_16 = arith.constant 0 : i32
    %dma_start3A_17 = tpu.memref_slice %arg3[%dma_start3A_15, %dma_start3A_16] : memref<1000000x128xf32, #tpu.memory_space<hbm>> -> memref<1000000x128xf32, #tpu.memory_space<hbm>>
    tpu.enqueue_indirect_dma source(%dma_start3A_17 : memref<1000000x128xf32, #tpu.memory_space<hbm>>) target(%dma_start3A_12 : memref<128x128xf32, #tpu.memory_space<vmem>>) offsets(%dma_start3A_14 : memref<128xi32, #tpu.memory_space<vmem>>) semaphore(%arg8 : memref<!tpu.dma_semaphore, #tpu.memory_space<semaphore_mem>>)
    %scan3A = arith.constant 0 : i32
    %scan3A_18 = arith.constant 0 : i32
    %scan3A_19 = arith.constant 50 : i32
    %scan3A_20 = arith.addi %scan3A_18, %scan3A_19 : i32
    %scan3A_21 = arith.constant 1 : i32
    scf.for %scan3A_23 = %scan3A_18 to %scan3A_20 step %scan3A_21  : i32 {
      %mul3A_24 = arith.constant 2 : i32
      %mul3A_25 = arith.muli %mul3A_24, %scan3A_23 : i32
      %add3A_26 = arith.constant 1 : i32
      %add3A_27 = arith.addi %mul3A_25, %add3A_26 : i32
      %mul3A_28 = arith.constant 256 : i32
      %mul3A_29 = arith.muli %add3A_27, %mul3A_28 : i32
      %add3A_30 = arith.constant 0 : i32
      %add3A_31 = arith.addi %mul3A_29, %add3A_30 : i32
      %dma_start3A_32 = arith.constant 0 : i32
      %dma_start3A_33 = arith.constant 0 : i32
      %dma_start3A_34 = tpu.memref_slice %arg7[%dma_start3A_32, %dma_start3A_33] : memref<256x128xf32, #tpu.memory_space<vmem>> -> memref<128x128xf32, #tpu.memory_space<vmem>>
      %dma_start3A_35 = tpu.memref_slice %arg5[%add3A_31] : memref<25600xi32, #tpu.memory_space<vmem>> -> memref<128xi32, #tpu.memory_space<vmem>>
      %dma_start3A_36 = arith.constant 0 : i32
      %dma_start3A_37 = arith.constant 0 : i32
      %dma_start3A_38 = tpu.memref_slice %arg3[%dma_start3A_36, %dma_start3A_37] : memref<1000000x128xf32, #tpu.memory_space<hbm>> -> memref<1000000x128xf32, #tpu.memory_space<hbm>>
      tpu.enqueue_indirect_dma source(%dma_start3A_38 : memref<1000000x128xf32, #tpu.memory_space<hbm>>) target(%dma_start3A_34 : memref<128x128xf32, #tpu.memory_space<vmem>>) offsets(%dma_start3A_35 : memref<128xi32, #tpu.memory_space<vmem>>) semaphore(%arg9 : memref<!tpu.dma_semaphore, #tpu.memory_space<semaphore_mem>>)
      %add3A_39 = arith.constant 128 : i32
      %add3A_40 = arith.addi %mul3A_29, %add3A_39 : i32
      %dma_start3A_41 = arith.constant 128 : i32
      %dma_start3A_42 = arith.constant 0 : i32
      %dma_start3A_43 = tpu.memref_slice %arg7[%dma_start3A_41, %dma_start3A_42] : memref<256x128xf32, #tpu.memory_space<vmem>> -> memref<128x128xf32, #tpu.memory_space<vmem>>
      %dma_start3A_44 = tpu.memref_slice %arg5[%add3A_40] : memref<25600xi32, #tpu.memory_space<vmem>> -> memref<128xi32, #tpu.memory_space<vmem>>
      %dma_start3A_45 = arith.constant 0 : i32
      %dma_start3A_46 = arith.constant 0 : i32
      %dma_start3A_47 = tpu.memref_slice %arg3[%dma_start3A_45, %dma_start3A_46] : memref<1000000x128xf32, #tpu.memory_space<hbm>> -> memref<1000000x128xf32, #tpu.memory_space<hbm>>
      tpu.enqueue_indirect_dma source(%dma_start3A_47 : memref<1000000x128xf32, #tpu.memory_space<hbm>>) target(%dma_start3A_43 : memref<128x128xf32, #tpu.memory_space<vmem>>) offsets(%dma_start3A_44 : memref<128xi32, #tpu.memory_space<vmem>>) semaphore(%arg9 : memref<!tpu.dma_semaphore, #tpu.memory_space<semaphore_mem>>)
      %dma_wait3A = arith.constant 0 : i32
      %dma_wait3A_48 = arith.constant 0 : i32
      %dma_wait3A_49 = tpu.memref_slice %arg3[%dma_wait3A, %dma_wait3A_48] : memref<1000000x128xf32, #tpu.memory_space<hbm>> -> memref<256x128xf32, #tpu.memory_space<hbm>>
      %dma_wait3A_50 = arith.constant 0 : i32
      %dma_wait3A_51 = arith.constant 0 : i32
      %dma_wait3A_52 = tpu.memref_slice %arg3[%dma_wait3A_50, %dma_wait3A_51] : memref<1000000x128xf32, #tpu.memory_space<hbm>> -> memref<256x128xf32, #tpu.memory_space<hbm>>
      tpu.wait_dma2 semaphore(%arg8 : memref<!tpu.dma_semaphore, #tpu.memory_space<semaphore_mem>>) src(%dma_wait3A_52 : memref<256x128xf32, #tpu.memory_space<hbm>>) dst(%arg6 : memref<256x128xf32, #tpu.memory_space<vmem>>)
      %mul3A_53 = arith.constant 256 : i32
      %mul3A_54 = arith.muli %mul3A_25, %mul3A_53 : i32
      %add3A_55 = arith.addi %mul3A_2, %mul3A_54 : i32
      %multiple_of3A_56 = tpu.assume_multiple %add3A_55, 8 : i32
      "tpu.region"() ({
        %run_scoped3A = tpu.sem_alloc : memref<!tpu.dma_semaphore, #tpu.memory_space<semaphore_mem>>
        %dma_start3A_69 = arith.constant 0 : i32
        %dma_start3A_70 = arith.constant 0 : i32
        %dma_start3A_71 = tpu.memref_slice %arg6[%dma_start3A_69, %dma_start3A_70] : memref<256x128xf32, #tpu.memory_space<vmem>> -> memref<256x64xf32, #tpu.memory_space<vmem>>
        %dma_start3A_72 = arith.constant 0 : i32
        %dma_start3A_73 = tpu.memref_slice %arg4[%multiple_of3A_56, %dma_start3A_72] : memref<819200x64xf32, #tpu.memory_space<hbm>> -> memref<256x64xf32, #tpu.memory_space<hbm>>
        %dma_start3A_74 = arith.constant 0 : i32
        %dma_start3A_75 = tpu.memref_slice %arg4[%multiple_of3A_56, %dma_start3A_74] : memref<819200x64xf32, #tpu.memory_space<hbm>> -> memref<256x64xf32, #tpu.memory_space<hbm>>
        %dma_start3A_76 = arith.constant 0 : i32
        %dma_start3A_77 = arith.constant 0 : i32
        %dma_start3A_78 = tpu.memref_slice %arg6[%dma_start3A_76, %dma_start3A_77] : memref<256x128xf32, #tpu.memory_space<vmem>> -> memref<256x64xf32, #tpu.memory_space<vmem>>
        tpu.enqueue_dma source(%dma_start3A_78 : memref<256x64xf32, #tpu.memory_space<vmem>>) target(%dma_start3A_75 : memref<256x64xf32, #tpu.memory_space<hbm>>) target_semaphore(%run_scoped3A : memref<!tpu.dma_semaphore, #tpu.memory_space<semaphore_mem>>)
        %dma_wait3A_79 = arith.constant 0 : i32
        %dma_wait3A_80 = arith.constant 0 : i32
        %dma_wait3A_81 = tpu.memref_slice %arg6[%dma_wait3A_79, %dma_wait3A_80] : memref<256x128xf32, #tpu.memory_space<vmem>> -> memref<256x64xf32, #tpu.memory_space<vmem>>
        %dma_wait3A_82 = arith.constant 0 : i32
        %dma_wait3A_83 = tpu.memref_slice %arg4[%multiple_of3A_56, %dma_wait3A_82] : memref<819200x64xf32, #tpu.memory_space<hbm>> -> memref<256x64xf32, #tpu.memory_space<hbm>>
        %dma_wait3A_84 = arith.constant 0 : i32
        %dma_wait3A_85 = tpu.memref_slice %arg4[%multiple_of3A_56, %dma_wait3A_84] : memref<819200x64xf32, #tpu.memory_space<hbm>> -> memref<256x64xf32, #tpu.memory_space<hbm>>
        %dma_wait3A_86 = arith.constant 0 : i32
        %dma_wait3A_87 = arith.constant 0 : i32
        %dma_wait3A_88 = tpu.memref_slice %arg6[%dma_wait3A_86, %dma_wait3A_87] : memref<256x128xf32, #tpu.memory_space<vmem>> -> memref<256x64xf32, #tpu.memory_space<vmem>>
        tpu.wait_dma2 semaphore(%run_scoped3A : memref<!tpu.dma_semaphore, #tpu.memory_space<semaphore_mem>>) src(%dma_wait3A_88 : memref<256x64xf32, #tpu.memory_space<vmem>>) dst(%dma_wait3A_85 : memref<256x64xf32, #tpu.memory_space<hbm>>)
        tpu.yield
      }) : () -> ()
      %lt3A = arith.constant 49 : i32
      %lt3A_57 = arith.cmpi slt, %scan3A_23, %lt3A : i32
      %convert_element_type3A = arith.extui %lt3A_57 : i1 to i32
      %cond3A = arith.constant 0 : i32
      %cond3A_58 = arith.cmpi ne, %convert_element_type3A, %cond3A : i32
      scf.if %cond3A_58 {
        %add3A_69 = arith.constant 2 : i32
        %add3A_70 = arith.addi %mul3A_25, %add3A_69 : i32
        %mul3A_71 = arith.constant 256 : i32
        %mul3A_72 = arith.muli %add3A_70, %mul3A_71 : i32
        %add3A_73 = arith.constant 0 : i32
        %add3A_74 = arith.addi %mul3A_72, %add3A_73 : i32
        %dma_start3A_75 = arith.constant 0 : i32
        %dma_start3A_76 = arith.constant 0 : i32
        %dma_start3A_77 = tpu.memref_slice %arg6[%dma_start3A_75, %dma_start3A_76] : memref<256x128xf32, #tpu.memory_space<vmem>> -> memref<128x128xf32, #tpu.memory_space<vmem>>
        %dma_start3A_78 = tpu.memref_slice %arg5[%add3A_74] : memref<25600xi32, #tpu.memory_space<vmem>> -> memref<128xi32, #tpu.memory_space<vmem>>
        %dma_start3A_79 = arith.constant 0 : i32
        %dma_start3A_80 = arith.constant 0 : i32
        %dma_start3A_81 = tpu.memref_slice %arg3[%dma_start3A_79, %dma_start3A_80] : memref<1000000x128xf32, #tpu.memory_space<hbm>> -> memref<1000000x128xf32, #tpu.memory_space<hbm>>
        tpu.enqueue_indirect_dma source(%dma_start3A_81 : memref<1000000x128xf32, #tpu.memory_space<hbm>>) target(%dma_start3A_77 : memref<128x128xf32, #tpu.memory_space<vmem>>) offsets(%dma_start3A_78 : memref<128xi32, #tpu.memory_space<vmem>>) semaphore(%arg8 : memref<!tpu.dma_semaphore, #tpu.memory_space<semaphore_mem>>)
        %add3A_82 = arith.constant 128 : i32
        %add3A_83 = arith.addi %mul3A_72, %add3A_82 : i32
        %dma_start3A_84 = arith.constant 128 : i32
        %dma_start3A_85 = arith.constant 0 : i32
        %dma_start3A_86 = tpu.memref_slice %arg6[%dma_start3A_84, %dma_start3A_85] : memref<256x128xf32, #tpu.memory_space<vmem>> -> memref<128x128xf32, #tpu.memory_space<vmem>>
        %dma_start3A_87 = tpu.memref_slice %arg5[%add3A_83] : memref<25600xi32, #tpu.memory_space<vmem>> -> memref<128xi32, #tpu.memory_space<vmem>>
        %dma_start3A_88 = arith.constant 0 : i32
        %dma_start3A_89 = arith.constant 0 : i32
        %dma_start3A_90 = tpu.memref_slice %arg3[%dma_start3A_88, %dma_start3A_89] : memref<1000000x128xf32, #tpu.memory_space<hbm>> -> memref<1000000x128xf32, #tpu.memory_space<hbm>>
        tpu.enqueue_indirect_dma source(%dma_start3A_90 : memref<1000000x128xf32, #tpu.memory_space<hbm>>) target(%dma_start3A_86 : memref<128x128xf32, #tpu.memory_space<vmem>>) offsets(%dma_start3A_87 : memref<128xi32, #tpu.memory_space<vmem>>) semaphore(%arg8 : memref<!tpu.dma_semaphore, #tpu.memory_space<semaphore_mem>>)
      } else {
      }
      %dma_wait3A_59 = arith.constant 0 : i32
      %dma_wait3A_60 = arith.constant 0 : i32
      %dma_wait3A_61 = tpu.memref_slice %arg3[%dma_wait3A_59, %dma_wait3A_60] : memref<1000000x128xf32, #tpu.memory_space<hbm>> -> memref<256x128xf32, #tpu.memory_space<hbm>>
      %dma_wait3A_62 = arith.constant 0 : i32
      %dma_wait3A_63 = arith.constant 0 : i32
      %dma_wait3A_64 = tpu.memref_slice %arg3[%dma_wait3A_62, %dma_wait3A_63] : memref<1000000x128xf32, #tpu.memory_space<hbm>> -> memref<256x128xf32, #tpu.memory_space<hbm>>
      tpu.wait_dma2 semaphore(%arg9 : memref<!tpu.dma_semaphore, #tpu.memory_space<semaphore_mem>>) src(%dma_wait3A_64 : memref<256x128xf32, #tpu.memory_space<hbm>>) dst(%arg7 : memref<256x128xf32, #tpu.memory_space<vmem>>)
      %mul3A_65 = arith.constant 256 : i32
      %mul3A_66 = arith.muli %add3A_27, %mul3A_65 : i32
      %add3A_67 = arith.addi %mul3A_2, %mul3A_66 : i32
      %multiple_of3A_68 = tpu.assume_multiple %add3A_67, 8 : i32
      "tpu.region"() ({
        %run_scoped3A = tpu.sem_alloc : memref<!tpu.dma_semaphore, #tpu.memory_space<semaphore_mem>>
        %dma_start3A_69 = arith.constant 0 : i32
        %dma_start3A_70 = arith.constant 0 : i32
        %dma_start3A_71 = tpu.memref_slice %arg7[%dma_start3A_69, %dma_start3A_70] : memref<256x128xf32, #tpu.memory_space<vmem>> -> memref<256x64xf32, #tpu.memory_space<vmem>>
        %dma_start3A_72 = arith.constant 0 : i32
        %dma_start3A_73 = tpu.memref_slice %arg4[%multiple_of3A_68, %dma_start3A_72] : memref<819200x64xf32, #tpu.memory_space<hbm>> -> memref<256x64xf32, #tpu.memory_space<hbm>>
        %dma_start3A_74 = arith.constant 0 : i32
        %dma_start3A_75 = tpu.memref_slice %arg4[%multiple_of3A_68, %dma_start3A_74] : memref<819200x64xf32, #tpu.memory_space<hbm>> -> memref<256x64xf32, #tpu.memory_space<hbm>>
        %dma_start3A_76 = arith.constant 0 : i32
        %dma_start3A_77 = arith.constant 0 : i32
        %dma_start3A_78 = tpu.memref_slice %arg7[%dma_start3A_76, %dma_start3A_77] : memref<256x128xf32, #tpu.memory_space<vmem>> -> memref<256x64xf32, #tpu.memory_space<vmem>>
        tpu.enqueue_dma source(%dma_start3A_78 : memref<256x64xf32, #tpu.memory_space<vmem>>) target(%dma_start3A_75 : memref<256x64xf32, #tpu.memory_space<hbm>>) target_semaphore(%run_scoped3A : memref<!tpu.dma_semaphore, #tpu.memory_space<semaphore_mem>>)
        %dma_wait3A_79 = arith.constant 0 : i32
        %dma_wait3A_80 = arith.constant 0 : i32
        %dma_wait3A_81 = tpu.memref_slice %arg7[%dma_wait3A_79, %dma_wait3A_80] : memref<256x128xf32, #tpu.memory_space<vmem>> -> memref<256x64xf32, #tpu.memory_space<vmem>>
        %dma_wait3A_82 = arith.constant 0 : i32
        %dma_wait3A_83 = tpu.memref_slice %arg4[%multiple_of3A_68, %dma_wait3A_82] : memref<819200x64xf32, #tpu.memory_space<hbm>> -> memref<256x64xf32, #tpu.memory_space<hbm>>
        %dma_wait3A_84 = arith.constant 0 : i32
        %dma_wait3A_85 = tpu.memref_slice %arg4[%multiple_of3A_68, %dma_wait3A_84] : memref<819200x64xf32, #tpu.memory_space<hbm>> -> memref<256x64xf32, #tpu.memory_space<hbm>>
        %dma_wait3A_86 = arith.constant 0 : i32
        %dma_wait3A_87 = arith.constant 0 : i32
        %dma_wait3A_88 = tpu.memref_slice %arg7[%dma_wait3A_86, %dma_wait3A_87] : memref<256x128xf32, #tpu.memory_space<vmem>> -> memref<256x64xf32, #tpu.memory_space<vmem>>
        tpu.wait_dma2 semaphore(%run_scoped3A : memref<!tpu.dma_semaphore, #tpu.memory_space<semaphore_mem>>) src(%dma_wait3A_88 : memref<256x64xf32, #tpu.memory_space<vmem>>) dst(%dma_wait3A_85 : memref<256x64xf32, #tpu.memory_space<hbm>>)
        tpu.yield
      }) : () -> ()
    }
    %scan3A_22 = arith.constant 50 : i32
    return
  }
}

module attributes {stable_mosaic.version = 14 : i64} {
  func.func @_transpose_body(%arg0: i32, %arg1: memref<64x16384xf32, #tpu.memory_space<vmem>>, %arg2: memref<16384x128xf32, #tpu.memory_space<vmem>>) attributes {dimension_semantics = [#tpu.dimension_semantics<arbitrary>], iteration_bounds = array<i64: 62>, scalar_prefetch = 0 : i64, scratch_operands = 0 : i64, tpu.core_type = #tpu.core_type<tc>, window_params = [{transform_indices = @transform_0, window_bounds = array<i64: 64, 16384>}, {transform_indices = @transform_1, window_bounds = array<i64: 16384, 128>}]} {
    %get3A = arith.constant 0 : index
    %get3A_0 = arith.constant 0 : index
    %get3A_1 = vector.load %arg1[%get3A, %get3A_0] : memref<64x16384xf32, #tpu.memory_space<vmem>>, vector<64x16384xf32>
    %transpose3A = tpu.transpose %get3A_1, [1, 0] : vector<64x16384xf32> -> vector<16384x64xf32>
    %mul3A = arith.constant 8.000000e+00 : f32
    %mul3A_2 = vector.broadcast %mul3A : f32 to vector<16384x64xf32>
    %mul3A_3 = arith.mulf %transpose3A, %mul3A_2 : vector<16384x64xf32>
    %swap3A = arith.constant 0 : index
    %swap3A_4 = arith.constant 0 : index
    %swap3A_5 = vector.load %arg2[%swap3A, %swap3A_4] : memref<16384x128xf32, #tpu.memory_space<vmem>>, vector<16384x64xf32>
    tpu.vector_store %arg2[%swap3A, %swap3A_4], %mul3A_3 {strides = array<i32>} : memref<16384x128xf32, #tpu.memory_space<vmem>>, vector<16384x64xf32>,
    return
  }
  func.func @transform_0(%arg0: i32) -> (i32, i32) {
    %c0_i32 = arith.constant 0 : i32
    %c0_i32_0 = arith.constant 0 : i32
    return %c0_i32, %arg0 : i32, i32
  }
  func.func @transform_1(%arg0: i32) -> (i32, i32) {
    %c0_i32 = arith.constant 0 : i32
    %c0_i32_0 = arith.constant 0 : i32
    return %arg0, %c0_i32 : i32, i32
  }
}

module attributes {stable_mosaic.version = 14 : i64} {
  func.func @_untranspose_body(%arg0: i32, %arg1: i32, %arg2: memref<1x8192x128xf32, #tpu.memory_space<vmem>>, %arg3: memref<1x64x16384xf32, #tpu.memory_space<vmem>>) attributes {dimension_semantics = [#tpu.dimension_semantics<arbitrary>, #tpu.dimension_semantics<arbitrary>], iteration_bounds = array<i64: 50, 1>, scalar_prefetch = 0 : i64, scratch_operands = 0 : i64, tpu.core_type = #tpu.core_type<tc>, window_params = [{transform_indices = @transform_0, window_bounds = array<i64: 1, 8192, 128>}, {transform_indices = @transform_1, window_bounds = array<i64: 1, 64, 16384>}]} {
    %get3A = arith.constant 0 : index
    %get3A_0 = arith.constant 0 : index
    %get3A_1 = arith.constant 0 : index
    %get3A_2 = vector.load %arg2[%get3A, %get3A_0, %get3A_1] : memref<1x8192x128xf32, #tpu.memory_space<vmem>>, vector<1x8192x128xf32>
    %get3A_3 = vector.shape_cast %get3A_2 : vector<1x8192x128xf32> to vector<8192x128xf32>
    %slice3A = vector.extract_strided_slice %get3A_3 {offsets = [0, 0], sizes = [8192, 64], strides = [1, 1]} : vector<8192x128xf32> to vector<8192x64xf32>
    %transpose3A = tpu.transpose %slice3A, [1, 0] : vector<8192x64xf32> -> vector<64x8192xf32>
    %swap3A = arith.constant 0 : index
    %swap3A_4 = arith.constant 0 : index
    %swap3A_5 = arith.constant 0 : index
    %swap3A_6 = vector.load %arg3[%swap3A, %swap3A_4, %swap3A_5] : memref<1x64x16384xf32, #tpu.memory_space<vmem>>, vector<1x64x8192xf32>
    %swap3A_7 = vector.shape_cast %swap3A_6 : vector<1x64x8192xf32> to vector<64x8192xf32>
    %swap3A_8 = vector.shape_cast %transpose3A : vector<64x8192xf32> to vector<1x64x8192xf32>
    tpu.vector_store %arg3[%swap3A, %swap3A_4, %swap3A_5], %swap3A_8 {strides = array<i32>} : memref<1x64x16384xf32, #tpu.memory_space<vmem>>, vector<1x64x8192xf32>,
    %slice3A_9 = vector.extract_strided_slice %get3A_3 {offsets = [0, 64], sizes = [8192, 64], strides = [1, 1]} : vector<8192x128xf32> to vector<8192x64xf32>
    %transpose3A_10 = tpu.transpose %slice3A_9, [1, 0] : vector<8192x64xf32> -> vector<64x8192xf32>
    %swap3A_11 = arith.constant 0 : index
    %swap3A_12 = arith.constant 0 : index
    %swap3A_13 = arith.constant 8192 : index
    %swap3A_14 = vector.load %arg3[%swap3A_11, %swap3A_12, %swap3A_13] : memref<1x64x16384xf32, #tpu.memory_space<vmem>>, vector<1x64x8192xf32>
    %swap3A_15 = vector.shape_cast %swap3A_14 : vector<1x64x8192xf32> to vector<64x8192xf32>
    %swap3A_16 = vector.shape_cast %transpose3A_10 : vector<64x8192xf32> to vector<1x64x8192xf32>
    tpu.vector_store %arg3[%swap3A_11, %swap3A_12, %swap3A_13], %swap3A_16 {strides = array<i32>} : memref<1x64x16384xf32, #tpu.memory_space<vmem>>, vector<1x64x8192xf32>,
    return
  }
  func.func @transform_0(%arg0: i32, %arg1: i32) -> (i32, i32, i32) {
    %c0_i32 = arith.constant 0 : i32
    %c0_i32_0 = arith.constant 0 : i32
    return %arg0, %arg1, %c0_i32 : i32, i32, i32
  }
  func.func @transform_1(%arg0: i32, %arg1: i32) -> (i32, i32, i32) {
    %c0_i32 = arith.constant 0 : i32
    %c0_i32_0 = arith.constant 0 : i32
    return %arg0, %c0_i32, %arg1 : i32, i32, i32
  }
}

</mosaic_0001>

<sc_bundles>
// kernel: _embed.5.cloned.1.call-start
scs
__scs_entry_jumppad:
0x0: {  	(pc) =	sbr.rel $0x88, $3  }
0x1: {  	(tag) =	ssettag $0x0;
	lr =	simm.s32 $0x1  }
0x2: {  	[smem:$0x3F9F] =	sst lr;
	_ =	strace $0xD0000000  }
0x3: {  	_ = 	snop  }
0x4: {  	_ = 	snop  }
0x5: {  	_ = 	snop  }
0x6: {  	_ = 	snop  }
0x7: {  	_ = 	snop  }
__scs_overlays_trampoline_lowered:
0x8: {  	[smem:$0x3FAE] =	sst s0  }
0x9: {  	[smem:$0x3FAF] =	sst s1  }
0xa: {  	[smem:$0x3FB0] =	sst s2  }
0xb: {  	[smem:$0x3FB1] =	sst s3  }
0xc: {  	[smem:$0x3FB2] =	sst s4  }
0xd: {  	[smem:$0x3FB3] =	sst s5  }
0xe: {  	[smem:$0x3FB4] =	sst s6  }
0xf: {  	[smem:$0x3FB5] =	sst s7  }
0x10: {  	[smem:$0x3FB6] =	sst s8  }
0x11: {  	[smem:$0x3FB7] =	sst s9;
	s0 =	simm.s32 @!p0 $0x0  }
0x12: {  	s1 =	sld [smem:$0x3F9D];
	s0 =	simm.s32 @p0 $0x1  }
0x13: {  	[smem:$0x3FB8] =	sst s0;
	s0 =	simm.s32 @!p1 $0x0  }
0x14: {  	s2 =	sld [smem:$0x3F9C];
	s0 =	simm.s32 @p1 $0x1  }
0x15: {  	[smem:$0x3FB9] =	sst s0;
	s0 =	simm.s32 @!p2 $0x0  }
0x16: {  	s3 =	sld [smem:$0x3FDB];
	s0 =	simm.s32 @p2 $0x1  }
0x17: {  	s4 =	simm.s32 $0x1BF5;
	[smem:$0x3FBB] =	sst s0  }
0x18: {  	s0 =	sld [smem:$0x3F9E];
	_ =	swait.ge [sflag:s4], $0x0  }
0x19: {  	s7 =	sld [smem:$0x3F9F]  }
0x1a: {  	s8 =	sadd.s32 $0xFFFFE003, lr  }
0x1b: {  	s9 =	sadd.s32 $0xFFFFFEF7, lr;
	s5 =	simm.s32 $0xFFFFFFFF;
	p2 =	slt.u32 s8, $0xFFFFF086  }
0x1c: {  	p1 =	slt.u32 s9, $0xF7A;
	s5 =	simm.s32 @!p2 $0x0  }
0x1d: {  	s5 =	simm.s32 @p1 $0x1;
	p0 =	seq.s32 s7, s2  }
0x1e: {  	s7 =	smul.u32 @!p0 $0xF7A, s2;
	p2 =	seq.s32 @!p0 s5, $0x0  }
0x1f: {  	s9 =	smul.u32 $0xF7A, s1;
	s8 =	simm.s32 @!p0 $0x1BF5;
	p2 =	por !p2, p0  }
0x20: {  	[sflag:s8] =	ssyncset.s32 @!p0 $0xFFFFF086;
	s6 =	sadd.s32 @!p0 s3, s7;
	s7 =	simm.s32 @!p0 $0x108  }
0x21: {  	s3 =	sadd.s32 s3, s9;
	s6 =	sadd.s32 @!p0 $0x88, s6;
	s7 =	simm.s32 @p2 $0x1082  }
0x22: {  	[simem:s7], [sflag:s8] =	dma.local @!p0 [hbm:s6], $0xF7A  }
0x23: {  	s9 =	sor.u32 $0xD0000000, s2;
	s6 =	simm.s32 $0x108;
	_ =	swait.ge @!p0 [sflag:s8], $0x0  }
0x24: {  	s3 =	sadd.s32 $0x88, s3;
	s6 =	simm.s32 @!p1 $0x1082;
	[sflag:s4] =	ssyncset.s32 $0xFFFFF086  }
0x25: {  	[simem:s6], [sflag:s4] =	dma.local [hbm:s3], $0xF7A  }
0x26: {  	[smem:$0x3F9F] =	sst s1;
	(tag) =	ssettag s2;
	_ =	strace s9  }
0x27: {  	s1 =	sld [smem:$0x3FAF]  }
0x28: {  	s2 =	sld [smem:$0x3FB0]  }
0x29: {  	s4 =	sld [smem:$0x3FB2]  }
0x2a: {  	p0 =	seq.s32 s5, $0x0;
	s5 =	sld [smem:$0x3FB3]  }
0x2b: {  	s6 =	sld [smem:$0x3FB4]  }
0x2c: {  	s7 =	sld [smem:$0x3FB5]  }
0x2d: {  	s3 =	simm.s32 $0x108;
	s8 =	sld [smem:$0x3FB6]  }
0x2e: {  	s3 =	simm.s32 @!p0 $0x1082;
	s9 =	sld [smem:$0x3FB7]  }
0x2f: {  	lr =	sadd.s32 s0, s3;
	s0 =	sld [smem:$0x3FAE]  }
0x30: {  	s3 =	sld [smem:$0x3FB1]  }
0x31: {  	[smem:$0x3FBA] =	sst s10  }
0x32: {  	s10 =	sld [smem:$0x3FB8];
	_ =	sdelay $0x3  }
0x33: {  	p0 =	seq.s32 s10, $0x1;
	s10 =	sld [smem:$0x3FBA];
	_ =	sdelay $0x3  }
0x34: {  	[smem:$0x3FBA] =	sst s10  }
0x35: {  	s10 =	sld [smem:$0x3FB9];
	_ =	sdelay $0x3  }
0x36: {  	p1 =	seq.s32 s10, $0x1;
	s10 =	sld [smem:$0x3FBA];
	_ =	sdelay $0x3  }
0x37: {  	[smem:$0x3FBA] =	sst s10  }
0x38: {  	s10 =	sld [smem:$0x3FBB]  }
0x39: {  	_ = 	snop;
	(pc) =	sbr.ind lr, $3  }
0x3a: {  	_ = 	snop  }
0x3b: {  	_ = 	snop  }
0x3c: {  	p2 =	seq.s32 s10, $0x1;
	s10 =	sld [smem:$0x3FBA]  }
0x3d: {  	_ =	shalt  }
0x3e: {  	_ =	shalt  }
0x3f: {  	_ =	shalt  }
0x40: {  	_ =	shalt  }
0x41: {  	_ =	shalt  }
0x42: {  	_ =	shalt  }
0x43: {  	_ =	shalt  }
0x44: {  	_ =	shalt  }
0x45: {  	_ =	shalt  }
0x46: {  	_ =	shalt  }
0x47: {  	_ =	shalt  }
0x48: {  	_ =	shalt  }
0x49: {  	_ =	shalt  }
0x4a: {  	_ =	shalt  }
0x4b: {  	_ =	shalt  }
0x4c: {  	_ =	shalt  }
0x4d: {  	_ =	shalt  }
0x4e: {  	_ =	shalt  }
0x4f: {  	_ =	shalt  }
0x50: {  	_ =	shalt  }
0x51: {  	_ =	shalt  }
0x52: {  	_ =	shalt  }
0x53: {  	_ =	shalt  }
0x54: {  	_ =	shalt  }
0x55: {  	_ =	shalt  }
0x56: {  	_ =	shalt  }
0x57: {  	_ =	shalt  }
0x58: {  	_ =	shalt  }
0x59: {  	_ =	shalt  }
0x5a: {  	_ =	shalt  }
0x5b: {  	_ =	shalt  }
0x5c: {  	_ =	shalt  }
0x5d: {  	_ =	shalt  }
0x5e: {  	_ =	shalt  }
0x5f: {  	_ =	shalt  }
0x60: {  	_ =	shalt  }
0x61: {  	_ =	shalt  }
0x62: {  	_ =	shalt  }
0x63: {  	_ =	shalt  }
0x64: {  	_ =	shalt  }
0x65: {  	_ =	shalt  }
0x66: {  	_ =	shalt  }
0x67: {  	_ =	shalt  }
0x68: {  	_ =	shalt  }
0x69: {  	_ =	shalt  }
0x6a: {  	_ =	shalt  }
0x6b: {  	_ =	shalt  }
0x6c: {  	_ =	shalt  }
0x6d: {  	_ =	shalt  }
0x6e: {  	_ =	shalt  }
0x6f: {  	_ =	shalt  }
0x70: {  	_ =	shalt  }
0x71: {  	_ =	shalt  }
0x72: {  	_ =	shalt  }
0x73: {  	_ =	shalt  }
0x74: {  	_ =	shalt  }
0x75: {  	_ =	shalt  }
0x76: {  	_ =	shalt  }
0x77: {  	_ =	shalt  }
0x78: {  	_ =	shalt  }
0x79: {  	_ =	shalt  }
0x7a: {  	_ =	shalt  }
0x7b: {  	_ =	shalt  }
0x7c: {  	_ =	shalt  }
0x7d: {  	_ =	shalt  }
0x7e: {  	_ =	shalt  }
0x7f: {  	_ =	shalt  }
0x80: {  	_ =	shalt  }
0x81: {  	_ =	shalt  }
0x82: {  	_ =	shalt  }
0x83: {  	_ =	shalt  }
0x84: {  	_ =	shalt  }
0x85: {  	_ =	shalt  }
0x86: {  	_ =	shalt  }
0x87: {  	_ =	shalt  }
.Lfunc_end0:
.L_simem_size_0:
called_computation_lowered:
.L_overlay_start_0:
0x88: {  	s2 =	sld [smem:$0x3FD9]  }
0x89: {  	s3 =	sld [smem:$0x3FFE];
	_ =	sdelay $0x1  }
0x8a: {  	s1 =	srdreg.scid  }
0x8b: {  	s0 =	sand.u32 $0x1, s1  }
0x8c: {  	s16 =	sshll.u32 s0, $0xA;
	s2 =	sadd.s32 s3, s2  }
0x8d: {  	s2 =	sadd.s32 s2, s16  }
0x8e: {  	[smem:$0x3FC6] =	sst s2  }
0x8f: {  	_ = 	snop  }
0x90: {  	(tm) =	ssettm $0x1  }
0x91: {  	s17 =	sld [smem:$0x3FFB];
	_ =	sdelay $0x3  }
0x92: {  	_ =	strace s17  }
0x93: {  	s2 =	sld [smem:$0x3FFC];
	_ =	sdelay $0x3  }
0x94: {  	_ =	strace s2  }
0x95: {  	s2 =	sld [smem:$0x3FFD];
	_ =	sdelay $0x3  }
0x96: {  	_ =	strace s2  }
0x97: {  	_ =	strace $0x8FFFFFFF  }
0x98: {  	s18 =	sld [smem:$0x3FDB];
	_ =	sdelay $0x1  }
0x99: {  	s19 =	simm.s32 $_scs_section_size  }
0x9a: {  	s4 =	simm.s32 $_size__tile_overlayer_lowered;
	s5 =	simm.s32 $_tile_overlayer_lowered  }
0x9b: {  	s22 =	simm.s32 $0x1BFF;
	s21 =	sshll.u32 s5, $0x1;
	s2 =	sadd.s32 s19, s18  }
0x9c: {  	s6 =	simm.s32 $0x0;
	s20 =	sshll.u32 s4, $0x1;
	s4 =	sadd.s32 s21, s2  }
0x9d: {  	[timem:s6], [sflag:s22] =	dma.local [hbm:s4], s20  }
0x9e: {  	_ =	swait.ge [sflag:s22], s20  }
0x9f: {  	s3 =	ssub.s32 $0x0, s20;
	[sflag:s22] =	ssyncset.done $0x0  }
0xa0: {  	[sflag:s22] =	ssyncadd.s32 s3;
	_ =	sdelay $0x1  }
0xa1: {  	s23 =	simm.s32 $0x1B8B  }
0xa2: {  	_ =	swait.ge [sflag:s23], $0x1  }
0xa3: {  	[sflag:s23] =	ssyncset.done $0x0  }
0xa4: {  	s25 =	simm.s32 $0x1B8E;
	s24 =	sld [smem:$0x3FFE];
	[sflag:s23] =	ssyncadd.s32 $0xFFFFFFFF  }
0xa5: {  	s26 =	simm.s32 $execute0_lowered;
	[smem:$0x3FD2] =	sst s25  }
0xa6: {  	s4 =	sshll.u32 s26, $0x1;
	_ =	strace $0x80000046;
	[dreg:$0x1] =	wrdreg $0xFFFFFFFF  }
0xa7: {  	s28 =	simm.s32 $_size_execute0_lowered;
	s2 =	sadd.s32 s2, s4;
	[dreg:$0x0] =	wrdreg $0x0  }
0xa8: {  	s4 =	sshll.u32 s28, $0x1;
	[dreg:$0x2] =	wrdreg s2  }
0xa9: {  	[dreg:$0x3] =	wrdreg s4  }
0xaa: {  	[dreg:$0x4] =	wrdreg $0xC0  }
0xab: {  	_ =	task [dreg:s6], $0x5FFFF  }
0xac: {  	[dreg:$0x1] =	wrdreg $0xFFFFFFFF  }
0xad: {  	[dreg:$0x0] =	wrdreg $0x60  }
0xae: {  	[dreg:$0x2] =	wrdreg s24  }
0xaf: {  	[dreg:$0x3] =	wrdreg $0x9  }
0xb0: {  	_ =	task.clear_ibuf [dreg:s6], $0x4FFFF;
	_ =	strace $0x90000046  }
0xb1: {  	s29 =	simm.s32 $0x9;
	_ =	strace $0x80000048  }
0xb2: {  	_ =	swait.ge [sflag:s29], $0x1  }
0xb3: {  	[sflag:s29] =	ssyncadd.s32 $0xFFFFFFFF  }
0xb4: {  	_ =	strace $0x90000048  }
0xb5: {  	_ =	sfence  }
0xb6: {  	s30 =	sld [smem:$0x0];
	_ =	sdelay $0x2  }
0xb7: {  	s31 =	sshll.u32 s1, $0xD;
	s1 =	sshrl.u32 s1, $0x2  }
0xb8: {  	s3 =	sand.u32 $0x4000, s31;
	s1 =	sadd.s32 s1, s30  }
0xb9: {  	s0 =	sor.u32 s3, s0;
	s1 =	sshll.u32 s1, $0x11  }
0xba: {  	s0 =	sor.u32 s1, s0  }
0xbb: {  	s0 =	sadd.s32 $0x8F2B, s0  }
0xbc: {  	[sflag:s0] =	ssyncadd.remote.s32 $0x1  }
0xbd: {  	_ =	sfence.sel $0xFFFF  }
0xbe: {  	[dreg:$0x0] =	wrdreg $0xFFFFFFFF;
	(pc) =	sbr.abs _section_cstart, $3  }
0xbf: {  	[dreg:$0x1] =	wrdreg $0xFFFFFFFF  }
0xc0: {  	_ =	task.clear_ibuf [dreg:s6], $0x2FFFF;
	_ =	strace $0x9FFFFFFF  }
0xc1: {  	(tm) =	ssettm $0x7FFFFFFF  }
tec
execute0_lowered:
.L_overlay_start_1:
0x0: {  	(tag) =	ssettag $0x1  }
0x1: {  	s1 =	srdreg.scid  }
0x2: {  	s0 =	stileid.u32;
	s5 =	rddreg [dreg:$0x0]  }
0x3: {  	s3 =	simm.s32 $0x0;
	s10 =	simm.s32 $0x80;
	s11 =	simm.s32 $0x6400  }
0x4: {  	s12 =	simm.s32 $0xA400;
	s13 =	simm.s32 $0xE400;
	s14 =	simm.s32 $0x12400  }
0x5: {  	s15 =	simm.s32 $0x1;
	s4 =	sand.u32 $0x1, s1;
	s31 =	sshll.u32 s0, $0x1  }
0x6: {  	s16 =	simm.s32 $0x2;
	s1 =	rddreg [dreg:$0x1];
	s7 =	sor.u32 s4, s31  }
0x7: {  	s17 =	simm.s32 $0x0;
	[smem:$0x7FF] =	sst s3;
	s2 =	smul.u32 $0x6400, s7  }
0x8: {  	s8 =	ssub.s32 $0x2, s4;
	_ =	strace $0x80000047;
	s4 =	sadd.s32 $0x19400, s5  }
0x9: {  	s9 =	sshrl.u32 s8, $0x1;
	s7 =	smul.u32 $0x190000, s7;
	s6 =	sshrl.u32 s2, $0x3  }
0xa: {  	s8 =	ssub.s32 s8, s9;
	s9 =	simm.s32 $0x3;
	s6 =	sadd.s32 s6, s5  }
0xb: {  	s8 =	smax.u32 s8, $0x1;
	s5 =	sadd.s32 $0xF5B800, s5;
	s6 =	sadd.s32 $0x400, s6  }
.LBB2_1:
0xc: {  	[tilespmem:s3], [sflag:$0x3] =	stream.linear.gather [hbm4b:s6+s3], $0x6400, $0x38;
	[tilespmem:$0x16400] =	vst v63  }
0xd: {  	_ =	swait.ge [sflag:s9], $0x6400  }
0xe: {  	[sflag:s9] =	ssyncset.done $0x0  }
0xf: {  	[sflag:s9] =	ssyncadd.s32 $0xFFFF9C00  }
0x10: {  	[tilespmem:s11], [sflag:$0x1] =	stream.indirect.gather [hbm4b:s4+s10], $0x80, s3, s10, $0xb8;
	[tilespmem:$0x16400] =	vst v63  }
0x11: {  	s18 =	simm.s32 $0x0  }
0x12: {  	[tilespmem:s12], [sflag:$0x1] =	stream.indirect.gather [hbm4b:s4+s10], $0x80, s10, s10, $0xb8;
	[tilespmem:$0x16400] =	vst v63  }
.LBB2_2:
0x13: {  	s20 =	sshll.u32 s18, $0x9  }
0x14: {  	s19 =	sor.u32 $0x100, s20  }
0x15: {  	[tilespmem:s13], [sflag:$0x2] =	stream.indirect.gather [hbm4b:s4+s10], $0x80, s19, s10, $0xb8;
	[tilespmem:$0x16400] =	vst v63  }
0x16: {  	s31 =	sshll.u32 s18, $0xF;
	s21 =	sor.u32 $0x180, s20  }
0x17: {  	[tilespmem:s14], [sflag:$0x2] =	stream.indirect.gather [hbm4b:s4+s10], $0x80, s21, s10, $0xb8;
	[tilespmem:$0x16400] =	vst v63  }
0x18: {  	s21 =	sadd.s32 s7, s31  }
0x19: {  	s22 =	simm.s32 $0x6400;
	_ =	swait.ge [sflag:s15], $0x8000;
	s21 =	sshrl.u32 s21, $0x3  }
0x1a: {  	s23 =	simm.s32 $0x8;
	[sflag:s15] =	ssyncset.done $0x0;
	s21 =	sadd.s32 s5, s21  }
0x1b: {  	s24 =	simm.s32 $0x6480;
	[sflag:s15] =	ssyncadd.s32 $0xFFFF8000;
	s25 =	sadd.s32 $0x0, s21  }
.LBB2_3:
0x1c: {  	[hbm4b:s25+s3] =	stream.linear.scatter [tilespmem:s22], [sflag:$0x3], $0x40, $0x38;
	[tilespmem:$0x16400] =	vst v63  }
0x1d: {  	s25 =	smov.u32 s23;
	s22 =	smov.u32 s24;
	p0 =	sne.s32 s23, $0x7F8  }
.Ltmp0:
0x1e: {  	s23 =	sadd.s32 $0x8, s23;
	(pc) =	sbr.rel @p0 .LBB2_3-.Ltmp0, $2  }
0x1f: {  	_ =	sdelay $0x2  }
0x20: {  	s24 =	sadd.s32 $0x80, s24;
	s25 =	sadd.s32 s25, s21  }
0x21: {  	[hbm4b:s25+s3] =	stream.linear.scatter [tilespmem:s22], [sflag:$0x3], $0x40, $0x38;
	[tilespmem:$0x16400] =	vst v63  }
0x22: {  	p0 =	seq.s32 s18, $0x31;
	s19 =	sadd.s32 s2, s19;
	_ =	swait.ge [sflag:s9], $0x4000  }
0x23: {  	s21 =	sadd.s32 @!p0 $0x200, s20;
	s22 =	simm.s32 @!p0 $0x80;
	[sflag:s9] =	ssyncset.done $0x0  }
0x24: {  	s23 =	simm.s32 @!p0 $0x6400;
	s19 =	sshll.u32 s19, $0x3;
	[sflag:s9] =	ssyncadd.s32 $0xFFFFC000  }
0x25: {  	[tilespmem:s23], [sflag:$0x1] =	stream.indirect.gather @!p0 [hbm4b:s4+s22], $0x80, s21, s22, $0xb8;
	[tilespmem:$0x16400] =	vst v63  }
0x26: {  	s20 =	sadd.s32 @!p0 $0x280, s20;
	s19 =	sand.u32 $0x1FFFF800, s19;
	s21 =	simm.s32 @!p0 $0xA400  }
0x27: {  	[tilespmem:s21], [sflag:$0x1] =	stream.indirect.gather @!p0 [hbm4b:s4+s22], $0x80, s20, s22, $0xb8;
	[tilespmem:$0x16400] =	vst v63  }
0x28: {  	s19 =	sadd.s32 s5, s19;
	_ =	swait.ge [sflag:s16], $0x8000  }
0x29: {  	s23 =	sadd.s32 $0x0, s19;
	s20 =	simm.s32 $0xE400;
	[sflag:s16] =	ssyncset.done $0x0  }
0x2a: {  	s21 =	simm.s32 $0x8;
	s22 =	simm.s32 $0xE480;
	[sflag:s16] =	ssyncadd.s32 $0xFFFF8000  }
.LBB2_5:
0x2b: {  	[hbm4b:s23+s3] =	stream.linear.scatter [tilespmem:s20], [sflag:$0x3], $0x40, $0x38;
	[tilespmem:$0x16400] =	vst v63  }
0x2c: {  	s23 =	smov.u32 s21;
	s20 =	smov.u32 s22;
	p0 =	sne.s32 s21, $0x7F8  }
.Ltmp1:
0x2d: {  	s21 =	sadd.s32 $0x8, s21;
	(pc) =	sbr.rel @p0 .LBB2_5-.Ltmp1, $2  }
0x2e: {  	_ =	sdelay $0x2  }
0x2f: {  	s22 =	sadd.s32 $0x80, s22;
	s23 =	sadd.s32 s23, s19  }
0x30: {  	s18 =	sadd.s32 $0x1, s18  }
0x31: {  	p0 =	sne.s32 s18, $0x32  }
.Ltmp2:
0x32: {  	_ = 	snop;
	(pc) =	sbr.rel @p0 .LBB2_2-.Ltmp2, $4  }
0x33: {  	[hbm4b:s23+s3] =	stream.linear.scatter [tilespmem:s20], [sflag:$0x3], $0x40, $0x38;
	[tilespmem:$0x16400] =	vst v63  }
0x34: {  	_ =	swait.ge [sflag:s9], $0x4000  }
0x35: {  	[sflag:s9] =	ssyncset.done $0x0  }
0x36: {  	[sflag:s9] =	ssyncadd.s32 $0xFFFFC000  }
0x37: {  	s17 =	sadd.s32 $0x1, s17  }
0x38: {  	p0 =	sne.s32 s17, s8  }
.Ltmp3:
0x39: {  	_ = 	snop;
	(pc) =	sbr.rel @p0 .LBB2_1-.Ltmp3, $1  }
0x3a: {  	_ =	sdelay $0x3  }
0x3b: {  	_ =	sfence.sel $0x180000  }
0x3c: {  	[bflag:$0x0] =	sbarrier.arrive $0xFFFF  }
0x3d: {  	p0 =	sne.s32 s0, $0x0;
	_ =	strace $0x90000047  }
0x3e: {  	s0 =	sadd.s32 @!p0 $0x100000, s1;
	[bflag:$0x2] =	sbarrier.arrive $0xFFFF  }
0x3f: {  	[sflag:s0] =	ssyncadd.tile.s32 @!p0 $0x1;
	_ =	shalt  }
.Lfunc_end2:
_tile_overlayer_lowered:
.L_overlay_start_2:
0x40: {  	(tag) =	ssettag $0x2  }
0x41: {  	s0 =	rddreg [dreg:$0x0];
	s2 =	stileid.u32  }
0x42: {  	s1 =	rddreg [dreg:$0x1];
	p0 =	sne.s32 s2, $0x0  }
0x43: {  	s3 =	rddreg [dreg:$0x2];
	[bflag:$0x3] =	sbarrier.arrive $0xFFFF;
	s2 =	simm.s32 @!p0 $0x1C03  }
0x44: {  	[timem:s3], [sflag:s2] =	dma.local @!p0 [hbm:s0], s1  }
0x45: {  	s0 =	simm.s32 @!p0 $0x3  }
0x46: {  	_ =	swait.ge @!p0 [sflag:s0], s1  }
0x47: {  	s1 =	ssub.s32 @!p0 $0x0, s1;
	[sflag:s0] =	ssyncset.done @!p0 $0x0  }
0x48: {  	[sflag:s0] =	ssyncadd.s32 @!p0 s1  }
0x49: {  	[bflag:$0x3] =	sbarrier.arrive $0xFFFF  }
0x4a: {  	_ =	shalt  }

</sc_bundles>
